<compile_context>
chip_gen: v7x
topology: tpu7x:2x2x1
jax: 0.10.2.dev20260603
libtpu: 0.0.44.dev20260713+nightly
codegen_flags: <defaults>
</compile_context>

<pallas_src>
import functools

import jax
import jax.numpy as jnp
from jax import lax
from jax.experimental import pallas as pl
from jax.experimental.pallas import tpu as pltpu
from jax.experimental.pallas import tpu_sc as plsc

_LANES = 128


def _tc_body(x_ref, y_ref, neurons_ref, act_ref, cnt_ref, sigma_ref,
             out_act_ref, out_cnt_ref, bmu_ref):
    x = x_ref[...]
    n = neurons_ref[...]
    g = lax.dot_general(x, n, (((1,), (1,)), ((), ())),
                        precision=lax.Precision.HIGHEST,
                        preferred_element_type=jnp.float32)
    x2 = jnp.sum(x * x, axis=1, keepdims=True)
    n2 = jnp.sum(n * n, axis=1, keepdims=True).T
    dist2 = jnp.maximum(x2 + n2 - 2.0 * g, 0.0)
    m = jnp.min(dist2, axis=1, keepdims=True)
    col = lax.broadcasted_iota(jnp.int32, dist2.shape, 1)
    bmu = jnp.min(jnp.where(dist2 == m, col, jnp.int32(dist2.shape[1])),
                  axis=1, keepdims=True)
    sigma = sigma_ref[0, 0]
    gauss = jnp.exp(-jnp.sqrt(dist2) / sigma)
    bmu_g = jnp.exp(-jnp.sqrt(m) / sigma)
    norm = jnp.where(bmu_g == 0.0, jnp.zeros_like(gauss), gauss / bmu_g)
    y = y_ref[...]
    out_act_ref[...] = act_ref[...] + lax.dot_general(
        norm, y, (((0,), (0,)), ((), ())), preferred_element_type=jnp.float32)
    out_cnt_ref[...] = cnt_ref[...] + jnp.sum(y, axis=0,
                                              keepdims=True).astype(jnp.int32)
    bmu_ref[...] = bmu.T


def _tc_call(x, y, neurons, activities, cnt2d, sigma2d):
    B = x.shape[0]
    N, C = activities.shape
    return pl.pallas_call(
        _tc_body,
        out_shape=[
            jax.ShapeDtypeStruct((N, C), jnp.float32),
            jax.ShapeDtypeStruct((1, C), jnp.int32),
            jax.ShapeDtypeStruct((1, B), jnp.int32),
        ],
        in_specs=[pl.BlockSpec(memory_space=pltpu.VMEM)] * 5
        + [pl.BlockSpec(memory_space=pltpu.SMEM)],
        out_specs=[pl.BlockSpec(memory_space=pltpu.VMEM)] * 3,
    )(x, y, neurons, activities, cnt2d, sigma2d)


def _sc_gather_rows(table, idx):
    info = plsc.get_sparse_core_info()
    nw = info.num_subcores
    B = idx.shape[0]
    Dp = table.shape[1]
    b_per_w = B // nw
    mesh = plsc.VectorSubcoreMesh(core_axis_name="c", subcore_axis_name="s", num_cores=1)

    @functools.partial(
        pl.kernel, mesh=mesh,
        out_type=jax.ShapeDtypeStruct((B, Dp), jnp.float32),
        scratch_types=[
            pltpu.VMEM((b_per_w,), jnp.int32),
            pltpu.VMEM((b_per_w, Dp), jnp.float32),
            pltpu.SemaphoreType.DMA,
        ],
    )
    def k(table_hbm, idx_hbm, out_hbm, idx_v, rows_v, sem):
        wid = lax.axis_index("s")
        base = wid * b_per_w
        pltpu.sync_copy(idx_hbm.at[pl.ds(base, b_per_w)], idx_v)
        pltpu.async_copy(table_hbm.at[idx_v], rows_v, sem).wait()
        pltpu.sync_copy(rows_v, out_hbm.at[pl.ds(base, b_per_w)])

    return k(table, idx)


def kernel(x, y, neurons, labels, activities, labels_count, sigma):
    B = x.shape[0]
    H, W, C = labels.shape
    N = H * W
    cnt2d = labels_count.reshape(1, C)
    sigma2d = jnp.asarray(sigma, jnp.float32).reshape(1, 1)
    labels_pad = jnp.pad(labels.reshape(N, C), ((0, 0), (0, _LANES - C)))
    new_act, new_cnt, bmu2d = _tc_call(x, y, neurons, activities, cnt2d, sigma2d)
    out = _sc_gather_rows(labels_pad, bmu2d.reshape(B))[:, :C]
    return out, new_act, new_cnt.reshape(C)

# --- scband reference (transcript-rebuilt; emitter-appended) ---
"""Pipeline reference for scband-somlabelling-21981642621440 (READ-ONLY COPY).

The authoritative reference and input builder live on the scoring server;
editing this copy changes nothing except your own understanding.
"""

import jax, jax.numpy as jnp
import numpy as np


def setup_inputs(seed: int = 0) -> dict:
    key = jax.random.key(seed)
    ks = jax.random.split(key, 6)
    B, D, C = 256, 256, 10
    H, W = 32, 32
    N = H * W
    x = jax.random.normal(ks[0], (B, D), dtype=jnp.float32)
    y_cls = jax.random.randint(ks[1], (B,), 0, C)
    y = jax.nn.one_hot(y_cls, C, dtype=jnp.float32)
    neurons = jax.random.normal(ks[2], (N, D), dtype=jnp.float32)
    lbl_idx = jax.random.randint(ks[3], (H, W), 0, C)
    labels = jax.nn.one_hot(lbl_idx, C, dtype=jnp.float32)
    activities = jnp.zeros((N, C), dtype=jnp.float32)
    labels_count = jnp.zeros((C,), dtype=jnp.int32)
    sigma = jnp.ones((), dtype=jnp.float32)
    return {"x": x, "y": y, "neurons": neurons, "labels": labels,
            "activities": activities, "labels_count": labels_count, "sigma": sigma}


def reference(x, y, neurons, labels, activities, labels_count, sigma):
    # Training-mode forward of SOMLabelling
    B = x.shape[0]
    xr = x.reshape((B, 1, -1))                      # [B, 1, D]
    diff = xr - neurons                              # [B, N, D]
    diff2 = diff * diff
    dist2 = jnp.sum(diff2, axis=-1)                  # [B, N]
    dist = jnp.sqrt(dist2)
    bmu_dist2 = jnp.min(dist2, axis=-1)              # [B]
    bmu = jnp.argmin(dist2, axis=-1)                 # [B]
    bmu_gauss = jnp.exp(-jnp.sqrt(bmu_dist2) / sigma)   # [B]
    gauss = jnp.exp(-dist / sigma)                   # [B, N]
    bmu_g = bmu_gauss[:, None]                       # [B, 1]
    norm = jnp.where(bmu_g == 0.0, jnp.zeros_like(gauss), gauss / bmu_g)  # [B, N]
    norm_bl = jnp.moveaxis(norm, 0, -1)              # [N, B]
    truth = jnp.argmax(y, axis=-1)                   # [B]
    # activities[..., truth_classes] += ...  (scatter-add into columns)
    new_activities = activities.at[:, truth].add(norm_bl)
    # labels_count[truth_classes] += 1
    new_labels_count = labels_count.at[truth].add(1)
    # bmu_location = unravel_index(bmu, (H, W)); labels[bmu_location]
    H = labels.shape[0]
    W = labels.shape[1]
    r = bmu // W
    c = bmu % W
    out = labels[r, c]                               # [B, C]
    return out, new_activities, new_labels_count

if __name__ == "__main__":
    import jax
    _d = setup_inputs()
    print(jax.jit(kernel)(*tuple(_d.values())))

</pallas_src>

<mosaic_0001>
#map = affine_map<(d0, d1) -> (0, 0)>
#map1 = affine_map<(d0, d1) -> (0)>
module attributes {stable_mosaic.version = 14 : i64} {
  func.func @k(%arg0: i32, %arg1: i32, %arg2: memref<1024x128xf32, #tpu.memory_space<hbm>>, %arg3: memref<256xi32, #tpu.memory_space<hbm>>, %arg4: memref<256x128xf32, #tpu.memory_space<hbm>>, %arg5: memref<16xi32, #tpu.memory_space<vmem>>, %arg6: memref<16x128xf32, #tpu.memory_space<vmem>>, %arg7: memref<!tpu.dma_semaphore, #tpu.memory_space<semaphore_mem>>) attributes {dimension_semantics = [#tpu.dimension_semantics<core_parallel>, #tpu.dimension_semantics<subcore_parallel>], iteration_bounds = array<i64: 1, 16>, scalar_prefetch = 0 : i64, scratch_operands = 3 : i64, tpu.core_type = #tpu.core_type<sc_vector_subcore>, window_params = [{transform_indices = #map}, {transform_indices = #map1}, {transform_indices = #map}]} {
    %mul3A = arith.constant 16 : i32
    %mul3A_0 = arith.muli %arg1, %mul3A : i32
    "tpu.region"() ({
      %run_scoped3A = tpu.sem_alloc : memref<!tpu.dma_semaphore, #tpu.memory_space<semaphore_mem>>
      %dma_start3A_5 = tpu.memref_slice %arg3[%mul3A_0] : memref<256xi32, #tpu.memory_space<hbm>> -> memref<16xi32, #tpu.memory_space<hbm>>
      %dma_start3A_6 = tpu.memref_slice %arg3[%mul3A_0] : memref<256xi32, #tpu.memory_space<hbm>> -> memref<16xi32, #tpu.memory_space<hbm>>
      tpu.enqueue_dma source(%dma_start3A_6 : memref<16xi32, #tpu.memory_space<hbm>>) target(%arg5 : memref<16xi32, #tpu.memory_space<vmem>>) target_semaphore(%run_scoped3A : memref<!tpu.dma_semaphore, #tpu.memory_space<semaphore_mem>>)
      %dma_wait3A_7 = tpu.memref_slice %arg3[%mul3A_0] : memref<256xi32, #tpu.memory_space<hbm>> -> memref<16xi32, #tpu.memory_space<hbm>>
      %dma_wait3A_8 = tpu.memref_slice %arg3[%mul3A_0] : memref<256xi32, #tpu.memory_space<hbm>> -> memref<16xi32, #tpu.memory_space<hbm>>
      tpu.wait_dma2 semaphore(%run_scoped3A : memref<!tpu.dma_semaphore, #tpu.memory_space<semaphore_mem>>) src(%dma_wait3A_8 : memref<16xi32, #tpu.memory_space<hbm>>) dst(%arg5 : memref<16xi32, #tpu.memory_space<vmem>>)
      tpu.yield
    }) : () -> ()
    %dma_start3A = arith.constant 0 : i32
    %dma_start3A_1 = arith.constant 0 : i32
    %dma_start3A_2 = tpu.memref_slice %arg2[%dma_start3A, %dma_start3A_1] : memref<1024x128xf32, #tpu.memory_space<hbm>> -> memref<1024x128xf32, #tpu.memory_space<hbm>>
    tpu.enqueue_indirect_dma source(%dma_start3A_2 : memref<1024x128xf32, #tpu.memory_space<hbm>>) target(%arg6 : memref<16x128xf32, #tpu.memory_space<vmem>>) offsets(%arg5 : memref<16xi32, #tpu.memory_space<vmem>>) semaphore(%arg7 : memref<!tpu.dma_semaphore, #tpu.memory_space<semaphore_mem>>)
    %dma_wait3A = arith.constant 0 : i32
    %dma_wait3A_3 = arith.constant 0 : i32
    %dma_wait3A_4 = tpu.memref_slice %arg2[%dma_wait3A, %dma_wait3A_3] : memref<1024x128xf32, #tpu.memory_space<hbm>> -> memref<1024x128xf32, #tpu.memory_space<hbm>>
    tpu.wait_indirect_dma semaphore(%arg7 : memref<!tpu.dma_semaphore, #tpu.memory_space<semaphore_mem>>) src(%dma_wait3A_4 : memref<1024x128xf32, #tpu.memory_space<hbm>>) dst(%arg6 : memref<16x128xf32, #tpu.memory_space<vmem>>)
    "tpu.region"() ({
      %run_scoped3A = tpu.sem_alloc : memref<!tpu.dma_semaphore, #tpu.memory_space<semaphore_mem>>
      %dma_start3A_5 = arith.constant 0 : i32
      %dma_start3A_6 = tpu.memref_slice %arg4[%mul3A_0, %dma_start3A_5] : memref<256x128xf32, #tpu.memory_space<hbm>> -> memref<16x128xf32, #tpu.memory_space<hbm>>
      %dma_start3A_7 = arith.constant 0 : i32
      %dma_start3A_8 = tpu.memref_slice %arg4[%mul3A_0, %dma_start3A_7] : memref<256x128xf32, #tpu.memory_space<hbm>> -> memref<16x128xf32, #tpu.memory_space<hbm>>
      tpu.enqueue_dma source(%arg6 : memref<16x128xf32, #tpu.memory_space<vmem>>) target(%dma_start3A_8 : memref<16x128xf32, #tpu.memory_space<hbm>>) target_semaphore(%run_scoped3A : memref<!tpu.dma_semaphore, #tpu.memory_space<semaphore_mem>>)
      %dma_wait3A_9 = arith.constant 0 : i32
      %dma_wait3A_10 = tpu.memref_slice %arg4[%mul3A_0, %dma_wait3A_9] : memref<256x128xf32, #tpu.memory_space<hbm>> -> memref<16x128xf32, #tpu.memory_space<hbm>>
      %dma_wait3A_11 = arith.constant 0 : i32
      %dma_wait3A_12 = tpu.memref_slice %arg4[%mul3A_0, %dma_wait3A_11] : memref<256x128xf32, #tpu.memory_space<hbm>> -> memref<16x128xf32, #tpu.memory_space<hbm>>
      tpu.wait_dma2 semaphore(%run_scoped3A : memref<!tpu.dma_semaphore, #tpu.memory_space<semaphore_mem>>) src(%arg6 : memref<16x128xf32, #tpu.memory_space<vmem>>) dst(%dma_wait3A_12 : memref<16x128xf32, #tpu.memory_space<hbm>>)
      tpu.yield
    }) : () -> ()
    return
  }
}

module attributes {stable_mosaic.version = 14 : i64} {
  func.func @_tc_body(%arg0: memref<256x256xf32, #tpu.memory_space<vmem>>, %arg1: memref<256x10xf32, #tpu.memory_space<vmem>>, %arg2: memref<1024x256xf32, #tpu.memory_space<vmem>>, %arg3: memref<1024x10xf32, #tpu.memory_space<vmem>>, %arg4: memref<1x10xi32, #tpu.memory_space<vmem>>, %arg5: memref<1x1xf32, #tpu.memory_space<smem>>, %arg6: memref<1024x10xf32, #tpu.memory_space<vmem>>, %arg7: memref<1x10xi32, #tpu.memory_space<vmem>>, %arg8: memref<1x256xi32, #tpu.memory_space<vmem>>) attributes {dimension_semantics = [], scalar_prefetch = 0 : i64, scratch_operands = 0 : i64, tpu.core_type = #tpu.core_type<tc>} {
    %get3A = arith.constant 0 : index
    %get3A_0 = arith.constant 0 : index
    %get3A_1 = vector.load %arg0[%get3A, %get3A_0] : memref<256x256xf32, #tpu.memory_space<vmem>>, vector<256x256xf32>
    %get3A_2 = arith.constant 0 : index
    %get3A_3 = arith.constant 0 : index
    %get3A_4 = vector.load %arg2[%get3A_2, %get3A_3] : memref<1024x256xf32, #tpu.memory_space<vmem>>, vector<1024x256xf32>
    %dot_general3A = arith.constant dense<0.000000e+00> : vector<256x1024xf32>
    %dot_general3A_5 = tpu.matmul %get3A_1, %get3A_4, %dot_general3A {dimension_numbers = #tpu.dot_dimension_numbers<[1], [1], [0], [0], [0, 0, 1, 0], [], []>, precision = #tpu.contract_precision<fp32>, transpose_lhs_hint = false} : vector<256x256xf32>, vector<1024x256xf32>, vector<256x1024xf32> -> vector<256x1024xf32>
    %mul3A = arith.mulf %get3A_1, %get3A_1 : vector<256x256xf32>
    %reduce_sum3A = arith.constant dense<0.000000e+00> : vector<256xf32>
    %reduce_sum3A_6 = vector.multi_reduction <add>, %mul3A, %reduce_sum3A [1] : vector<256x256xf32> to vector<256xf32>
    %broadcast_in_dim3A = vector.shape_cast %reduce_sum3A_6 : vector<256xf32> to vector<256x1xf32>
    %mul3A_7 = arith.mulf %get3A_4, %get3A_4 : vector<1024x256xf32>
    %reduce_sum3A_8 = arith.constant dense<0.000000e+00> : vector<1024xf32>
    %reduce_sum3A_9 = vector.multi_reduction <add>, %mul3A_7, %reduce_sum3A_8 [1] : vector<1024x256xf32> to vector<1024xf32>
    %broadcast_in_dim3A_10 = vector.shape_cast %reduce_sum3A_9 : vector<1024xf32> to vector<1024x1xf32>
    %transpose3A = tpu.transpose %broadcast_in_dim3A_10, [1, 0] : vector<1024x1xf32> -> vector<1x1024xf32>
    %add3A = vector.broadcast %broadcast_in_dim3A : vector<256x1xf32> to vector<256x1024xf32>
    %add3A_11 = vector.broadcast %transpose3A : vector<1x1024xf32> to vector<256x1024xf32>
    %add3A_12 = arith.addf %add3A, %add3A_11 : vector<256x1024xf32>
    %mul3A_13 = arith.constant 2.000000e+00 : f32
    %mul3A_14 = vector.broadcast %mul3A_13 : f32 to vector<256x1024xf32>
    %mul3A_15 = arith.mulf %mul3A_14, %dot_general3A_5 : vector<256x1024xf32>
    %sub3A = arith.subf %add3A_12, %mul3A_15 : vector<256x1024xf32>
    %max3A = arith.constant 0.000000e+00 : f32
    %max3A_16 = vector.broadcast %max3A : f32 to vector<256x1024xf32>
    %max3A_17 = arith.maximumf %sub3A, %max3A_16 : vector<256x1024xf32>
    %reduce_min3A = arith.constant dense<0x7F800000> : vector<256xf32>
    %reduce_min3A_18 = vector.multi_reduction <minimumf>, %max3A_17, %reduce_min3A [1] : vector<256x1024xf32> to vector<256xf32>
    %broadcast_in_dim3A_19 = vector.shape_cast %reduce_min3A_18 : vector<256xf32> to vector<256x1xf32>
    %iota3A = tpu.iota {dimensions = array<i32: 1>} : vector<256x1024xi32>
    %eq3A = vector.broadcast %broadcast_in_dim3A_19 : vector<256x1xf32> to vector<256x1024xf32>
    %eq3A_20 = arith.cmpf oeq, %max3A_17, %eq3A : vector<256x1024xf32>
    %jit3A = arith.constant 1024 : i32
    %broadcast_in_dim3A_21 = vector.broadcast %jit3A : i32 to vector<256x1024xi32>
    %select_n3A = arith.select %eq3A_20, %iota3A, %broadcast_in_dim3A_21 : vector<256x1024xi1>, vector<256x1024xi32>
    %reduce_min3A_22 = arith.constant dense<2147483647> : vector<256xi32>
    %reduce_min3A_23 = vector.multi_reduction <minsi>, %select_n3A, %reduce_min3A_22 [1] : vector<256x1024xi32> to vector<256xi32>
    %broadcast_in_dim3A_24 = vector.shape_cast %reduce_min3A_23 : vector<256xi32> to vector<256x1xi32>
    %get3A_25 = arith.constant 0 : index
    %get3A_26 = arith.constant 0 : index
    %get3A_27 = memref.load %arg5[%get3A_25, %get3A_26] : memref<1x1xf32, #tpu.memory_space<smem>>
    %sqrt3A = math.sqrt %max3A_17 : vector<256x1024xf32>
    %neg3A = arith.constant 0.000000e+00 : f32
    %neg3A_28 = vector.broadcast %neg3A : f32 to vector<256x1024xf32>
    %neg3A_29 = arith.subf %neg3A_28, %sqrt3A : vector<256x1024xf32>
    %div3A = vector.broadcast %get3A_27 : f32 to vector<256x1024xf32>
    %div3A_30 = arith.divf %neg3A_29, %div3A : vector<256x1024xf32>
    %exp3A = math.exp %div3A_30 : vector<256x1024xf32>
    %sqrt3A_31 = math.sqrt %broadcast_in_dim3A_19 : vector<256x1xf32>
    %neg3A_32 = arith.constant 0.000000e+00 : f32
    %neg3A_33 = vector.broadcast %neg3A_32 : f32 to vector<256x1xf32>
    %neg3A_34 = arith.subf %neg3A_33, %sqrt3A_31 : vector<256x1xf32>
    %div3A_35 = vector.broadcast %get3A_27 : f32 to vector<256x1xf32>
    %div3A_36 = arith.divf %neg3A_34, %div3A_35 : vector<256x1xf32>
    %exp3A_37 = math.exp %div3A_36 : vector<256x1xf32>
    %eq3A_38 = arith.constant 0.000000e+00 : f32
    %eq3A_39 = vector.broadcast %eq3A_38 : f32 to vector<256x1xf32>
    %eq3A_40 = arith.cmpf oeq, %exp3A_37, %eq3A_39 : vector<256x1xf32>
    %broadcast_in_dim3A_41 = arith.constant 0.000000e+00 : f32
    %broadcast_in_dim3A_42 = vector.broadcast %broadcast_in_dim3A_41 : f32 to vector<256x1024xf32>
    %div3A_43 = vector.broadcast %exp3A_37 : vector<256x1xf32> to vector<256x1024xf32>
    %div3A_44 = arith.divf %exp3A, %div3A_43 : vector<256x1024xf32>
    %broadcast_in_dim3A_45 = vector.shape_cast %eq3A_40 : vector<256x1xi1> to vector<256x1xi1>
    %broadcast_in_dim3A_46 = vector.broadcast %broadcast_in_dim3A_45 : vector<256x1xi1> to vector<256x1024xi1>
    %select_n3A_47 = arith.select %broadcast_in_dim3A_46, %broadcast_in_dim3A_42, %div3A_44 : vector<256x1024xi1>, vector<256x1024xf32>
    %get3A_48 = arith.constant 0 : index
    %get3A_49 = arith.constant 0 : index
    %get3A_50 = vector.load %arg1[%get3A_48, %get3A_49] : memref<256x10xf32, #tpu.memory_space<vmem>>, vector<256x10xf32>
    %get3A_51 = arith.constant 0 : index
    %get3A_52 = arith.constant 0 : index
    %get3A_53 = vector.load %arg3[%get3A_51, %get3A_52] : memref<1024x10xf32, #tpu.memory_space<vmem>>, vector<1024x10xf32>
    %dot_general3A_54 = arith.constant dense<0.000000e+00> : vector<1024x10xf32>
    %dot_general3A_55 = tpu.matmul %select_n3A_47, %get3A_50, %dot_general3A_54 {dimension_numbers = #tpu.dot_dimension_numbers<[0], [0], [1], [1], [0, 1, 1, 1], [], []>, transpose_lhs_hint = false} : vector<256x1024xf32>, vector<256x10xf32>, vector<1024x10xf32> -> vector<1024x10xf32>
    %add3A_56 = arith.addf %get3A_53, %dot_general3A_55 : vector<1024x10xf32>
    %swap3A = arith.constant 0 : index
    %swap3A_57 = arith.constant 0 : index
    %swap3A_58 = vector.load %arg6[%swap3A, %swap3A_57] : memref<1024x10xf32, #tpu.memory_space<vmem>>, vector<1024x10xf32>
    tpu.vector_store %arg6[%swap3A, %swap3A_57], %add3A_56 {strides = array<i32>} : memref<1024x10xf32, #tpu.memory_space<vmem>>, vector<1024x10xf32>,
    %get3A_59 = arith.constant 0 : index
    %get3A_60 = arith.constant 0 : index
    %get3A_61 = vector.load %arg4[%get3A_59, %get3A_60] : memref<1x10xi32, #tpu.memory_space<vmem>>, vector<1x10xi32>
    %reduce_sum3A_62 = arith.constant dense<0.000000e+00> : vector<10xf32>
    %reduce_sum3A_63 = vector.multi_reduction <add>, %get3A_50, %reduce_sum3A_62 [0] : vector<256x10xf32> to vector<10xf32>
    %broadcast_in_dim3A_64 = vector.shape_cast %reduce_sum3A_63 : vector<10xf32> to vector<1x10xf32>
    %convert_element_type3A = arith.fptosi %broadcast_in_dim3A_64 : vector<1x10xf32> to vector<1x10xi32>
    %add3A_65 = arith.addi %get3A_61, %convert_element_type3A : vector<1x10xi32>
    %swap3A_66 = arith.constant 0 : index
    %swap3A_67 = arith.constant 0 : index
    %swap3A_68 = vector.load %arg7[%swap3A_66, %swap3A_67] : memref<1x10xi32, #tpu.memory_space<vmem>>, vector<1x10xi32>
    tpu.vector_store %arg7[%swap3A_66, %swap3A_67], %add3A_65 {strides = array<i32>} : memref<1x10xi32, #tpu.memory_space<vmem>>, vector<1x10xi32>,
    %transpose3A_69 = tpu.transpose %broadcast_in_dim3A_24, [1, 0] : vector<256x1xi32> -> vector<1x256xi32>
    %swap3A_70 = arith.constant 0 : index
    %swap3A_71 = arith.constant 0 : index
    %swap3A_72 = vector.load %arg8[%swap3A_70, %swap3A_71] : memref<1x256xi32, #tpu.memory_space<vmem>>, vector<1x256xi32>
    tpu.vector_store %arg8[%swap3A_70, %swap3A_71], %transpose3A_69 {strides = array<i32>} : memref<1x256xi32, #tpu.memory_space<vmem>>, vector<1x256xi32>,
    return
  }
}

</mosaic_0001>

<sc_bundles>
// kernel: kernel.4.cloned.1.call-start
scs
__scs_entry_jumppad:
0x0: {  	(pc) =	sbr.rel $0x88, $3  }
0x1: {  	(tag) =	ssettag $0x0;
	lr =	simm.s32 $0x1  }
0x2: {  	[smem:$0x3F9A] =	sst lr;
	_ =	strace $0xD0000000  }
0x3: {  	_ = 	snop  }
0x4: {  	_ = 	snop  }
0x5: {  	_ = 	snop  }
0x6: {  	_ = 	snop  }
0x7: {  	_ = 	snop  }
__scs_overlays_trampoline_lowered:
0x8: {  	[smem:$0x3FA9] =	sst s0  }
0x9: {  	[smem:$0x3FAA] =	sst s1  }
0xa: {  	[smem:$0x3FAB] =	sst s2  }
0xb: {  	[smem:$0x3FAC] =	sst s3  }
0xc: {  	[smem:$0x3FAD] =	sst s4  }
0xd: {  	[smem:$0x3FAE] =	sst s5  }
0xe: {  	[smem:$0x3FAF] =	sst s6  }
0xf: {  	[smem:$0x3FB0] =	sst s7  }
0x10: {  	[smem:$0x3FB1] =	sst s8  }
0x11: {  	[smem:$0x3FB2] =	sst s9;
	s0 =	simm.s32 @!p0 $0x0  }
0x12: {  	s1 =	sld [smem:$0x3F98];
	s0 =	simm.s32 @p0 $0x1  }
0x13: {  	[smem:$0x3FB3] =	sst s0;
	s0 =	simm.s32 @!p1 $0x0  }
0x14: {  	s2 =	sld [smem:$0x3F97];
	s0 =	simm.s32 @p1 $0x1  }
0x15: {  	[smem:$0x3FB4] =	sst s0;
	s0 =	simm.s32 @!p2 $0x0  }
0x16: {  	s3 =	sld [smem:$0x3FDB];
	s0 =	simm.s32 @p2 $0x1  }
0x17: {  	s4 =	simm.s32 $0x1BF5;
	[smem:$0x3FB6] =	sst s0  }
0x18: {  	s0 =	sld [smem:$0x3F99];
	_ =	swait.ge [sflag:s4], $0x0  }
0x19: {  	s7 =	sld [smem:$0x3F9A]  }
0x1a: {  	s8 =	sadd.s32 $0xFFFFE003, lr  }
0x1b: {  	s9 =	sadd.s32 $0xFFFFFEF7, lr;
	s5 =	simm.s32 $0xFFFFFFFF;
	p2 =	slt.u32 s8, $0xFFFFF086  }
0x1c: {  	p1 =	slt.u32 s9, $0xF7A;
	s5 =	simm.s32 @!p2 $0x0  }
0x1d: {  	s5 =	simm.s32 @p1 $0x1;
	p0 =	seq.s32 s7, s2  }
0x1e: {  	s7 =	smul.u32 @!p0 $0xF7A, s2;
	p2 =	seq.s32 @!p0 s5, $0x0  }
0x1f: {  	s9 =	smul.u32 $0xF7A, s1;
	s8 =	simm.s32 @!p0 $0x1BF5;
	p2 =	por !p2, p0  }
0x20: {  	[sflag:s8] =	ssyncset.s32 @!p0 $0xFFFFF086;
	s6 =	sadd.s32 @!p0 s3, s7;
	s7 =	simm.s32 @!p0 $0x108  }
0x21: {  	s3 =	sadd.s32 s3, s9;
	s6 =	sadd.s32 @!p0 $0x88, s6;
	s7 =	simm.s32 @p2 $0x1082  }
0x22: {  	[simem:s7], [sflag:s8] =	dma.local @!p0 [hbm:s6], $0xF7A  }
0x23: {  	s9 =	sor.u32 $0xD0000000, s2;
	s6 =	simm.s32 $0x108;
	_ =	swait.ge @!p0 [sflag:s8], $0x0  }
0x24: {  	s3 =	sadd.s32 $0x88, s3;
	s6 =	simm.s32 @!p1 $0x1082;
	[sflag:s4] =	ssyncset.s32 $0xFFFFF086  }
0x25: {  	[simem:s6], [sflag:s4] =	dma.local [hbm:s3], $0xF7A  }
0x26: {  	[smem:$0x3F9A] =	sst s1;
	(tag) =	ssettag s2;
	_ =	strace s9  }
0x27: {  	s1 =	sld [smem:$0x3FAA]  }
0x28: {  	s2 =	sld [smem:$0x3FAB]  }
0x29: {  	s4 =	sld [smem:$0x3FAD]  }
0x2a: {  	p0 =	seq.s32 s5, $0x0;
	s5 =	sld [smem:$0x3FAE]  }
0x2b: {  	s6 =	sld [smem:$0x3FAF]  }
0x2c: {  	s7 =	sld [smem:$0x3FB0]  }
0x2d: {  	s3 =	simm.s32 $0x108;
	s8 =	sld [smem:$0x3FB1]  }
0x2e: {  	s3 =	simm.s32 @!p0 $0x1082;
	s9 =	sld [smem:$0x3FB2]  }
0x2f: {  	lr =	sadd.s32 s0, s3;
	s0 =	sld [smem:$0x3FA9]  }
0x30: {  	s3 =	sld [smem:$0x3FAC]  }
0x31: {  	[smem:$0x3FB5] =	sst s10  }
0x32: {  	s10 =	sld [smem:$0x3FB3];
	_ =	sdelay $0x3  }
0x33: {  	p0 =	seq.s32 s10, $0x1;
	s10 =	sld [smem:$0x3FB5];
	_ =	sdelay $0x3  }
0x34: {  	[smem:$0x3FB5] =	sst s10  }
0x35: {  	s10 =	sld [smem:$0x3FB4];
	_ =	sdelay $0x3  }
0x36: {  	p1 =	seq.s32 s10, $0x1;
	s10 =	sld [smem:$0x3FB5];
	_ =	sdelay $0x3  }
0x37: {  	[smem:$0x3FB5] =	sst s10  }
0x38: {  	s10 =	sld [smem:$0x3FB6]  }
0x39: {  	_ = 	snop;
	(pc) =	sbr.ind lr, $3  }
0x3a: {  	_ = 	snop  }
0x3b: {  	_ = 	snop  }
0x3c: {  	p2 =	seq.s32 s10, $0x1;
	s10 =	sld [smem:$0x3FB5]  }
0x3d: {  	_ =	shalt  }
0x3e: {  	_ =	shalt  }
0x3f: {  	_ =	shalt  }
0x40: {  	_ =	shalt  }
0x41: {  	_ =	shalt  }
0x42: {  	_ =	shalt  }
0x43: {  	_ =	shalt  }
0x44: {  	_ =	shalt  }
0x45: {  	_ =	shalt  }
0x46: {  	_ =	shalt  }
0x47: {  	_ =	shalt  }
0x48: {  	_ =	shalt  }
0x49: {  	_ =	shalt  }
0x4a: {  	_ =	shalt  }
0x4b: {  	_ =	shalt  }
0x4c: {  	_ =	shalt  }
0x4d: {  	_ =	shalt  }
0x4e: {  	_ =	shalt  }
0x4f: {  	_ =	shalt  }
0x50: {  	_ =	shalt  }
0x51: {  	_ =	shalt  }
0x52: {  	_ =	shalt  }
0x53: {  	_ =	shalt  }
0x54: {  	_ =	shalt  }
0x55: {  	_ =	shalt  }
0x56: {  	_ =	shalt  }
0x57: {  	_ =	shalt  }
0x58: {  	_ =	shalt  }
0x59: {  	_ =	shalt  }
0x5a: {  	_ =	shalt  }
0x5b: {  	_ =	shalt  }
0x5c: {  	_ =	shalt  }
0x5d: {  	_ =	shalt  }
0x5e: {  	_ =	shalt  }
0x5f: {  	_ =	shalt  }
0x60: {  	_ =	shalt  }
0x61: {  	_ =	shalt  }
0x62: {  	_ =	shalt  }
0x63: {  	_ =	shalt  }
0x64: {  	_ =	shalt  }
0x65: {  	_ =	shalt  }
0x66: {  	_ =	shalt  }
0x67: {  	_ =	shalt  }
0x68: {  	_ =	shalt  }
0x69: {  	_ =	shalt  }
0x6a: {  	_ =	shalt  }
0x6b: {  	_ =	shalt  }
0x6c: {  	_ =	shalt  }
0x6d: {  	_ =	shalt  }
0x6e: {  	_ =	shalt  }
0x6f: {  	_ =	shalt  }
0x70: {  	_ =	shalt  }
0x71: {  	_ =	shalt  }
0x72: {  	_ =	shalt  }
0x73: {  	_ =	shalt  }
0x74: {  	_ =	shalt  }
0x75: {  	_ =	shalt  }
0x76: {  	_ =	shalt  }
0x77: {  	_ =	shalt  }
0x78: {  	_ =	shalt  }
0x79: {  	_ =	shalt  }
0x7a: {  	_ =	shalt  }
0x7b: {  	_ =	shalt  }
0x7c: {  	_ =	shalt  }
0x7d: {  	_ =	shalt  }
0x7e: {  	_ =	shalt  }
0x7f: {  	_ =	shalt  }
0x80: {  	_ =	shalt  }
0x81: {  	_ =	shalt  }
0x82: {  	_ =	shalt  }
0x83: {  	_ =	shalt  }
0x84: {  	_ =	shalt  }
0x85: {  	_ =	shalt  }
0x86: {  	_ =	shalt  }
0x87: {  	_ =	shalt  }
.Lfunc_end0:
.L_simem_size_0:
called_computation_lowered:
.L_overlay_start_0:
0x88: {  	s0 =	sld [smem:$0x3FD9]  }
0x89: {  	s1 =	sld [smem:$0x3FFE];
	_ =	sdelay $0x3  }
0x8a: {  	s0 =	sadd.s32 s1, s0  }
0x8b: {  	[smem:$0x3FC1] =	sst s0  }
0x8c: {  	_ = 	snop  }
0x8d: {  	s0 =	sld [smem:$0x3FD0];
	_ =	sdelay $0x2  }
0x8e: {  	s13 =	simm.s32 $0xA;
	s2 =	simm.s32 $0x10  }
0x8f: {  	[smem:s2], [sflag:s13] =	dma.local [hbm:s0], $0x1  }
0x90: {  	_ =	swait.eq [sflag:s13], $0x1  }
0x91: {  	[sflag:s13] =	ssyncset.done $0x0  }
0x92: {  	[sflag:s13] =	ssyncadd.s32 $0xFFFFFFFF  }
0x93: {  	s14 =	sld [smem:$0x10];
	(tm) =	ssettm $0x1  }
0x94: {  	s15 =	sld [smem:$0x3FFB];
	_ =	sdelay $0x3  }
0x95: {  	_ =	strace s15  }
0x96: {  	s1 =	sld [smem:$0x3FFC];
	_ =	sdelay $0x3  }
0x97: {  	_ =	strace s1  }
0x98: {  	s1 =	sld [smem:$0x3FFD];
	_ =	sdelay $0x3  }
0x99: {  	_ =	strace s1  }
0x9a: {  	_ =	strace $0x8FFFFFFF  }
0x9b: {  	s16 =	sld [smem:$0x3FDB];
	_ =	sdelay $0x1  }
0x9c: {  	s17 =	simm.s32 $_scs_section_size  }
0x9d: {  	s3 =	simm.s32 $_size__tile_overlayer_lowered;
	s4 =	simm.s32 $_tile_overlayer_lowered  }
0x9e: {  	s20 =	simm.s32 $0x1BFF;
	s19 =	sshll.u32 s4, $0x1;
	s1 =	sadd.s32 s17, s16  }
0x9f: {  	s5 =	simm.s32 $0x0;
	s18 =	sshll.u32 s3, $0x1;
	s3 =	sadd.s32 s19, s1  }
0xa0: {  	[timem:s5], [sflag:s20] =	dma.local [hbm:s3], s18  }
0xa1: {  	_ =	swait.ge [sflag:s20], s18  }
0xa2: {  	s2 =	ssub.s32 $0x0, s18;
	[sflag:s20] =	ssyncset.done $0x0  }
0xa3: {  	[sflag:s20] =	ssyncadd.s32 s2;
	_ =	sdelay $0x1  }
0xa4: {  	s21 =	simm.s32 $0x1B8B  }
0xa5: {  	_ =	swait.ge [sflag:s21], $0x1  }
0xa6: {  	[sflag:s21] =	ssyncset.done $0x0  }
0xa7: {  	s23 =	simm.s32 $0x1B8E;
	s22 =	sld [smem:$0x3FFE];
	[sflag:s21] =	ssyncadd.s32 $0xFFFFFFFF  }
0xa8: {  	s24 =	simm.s32 $execute0_lowered;
	[smem:$0x3FD2] =	sst s23  }
0xa9: {  	s3 =	sshll.u32 s24, $0x1;
	_ =	strace $0x80000046;
	[dreg:$0x1] =	wrdreg $0xFFFFFFFF  }
0xaa: {  	s25 =	simm.s32 $_size_execute0_lowered;
	s1 =	sadd.s32 s1, s3;
	[dreg:$0x0] =	wrdreg $0x0  }
0xab: {  	s3 =	sshll.u32 s25, $0x1;
	[dreg:$0x2] =	wrdreg s1  }
0xac: {  	[dreg:$0x3] =	wrdreg s3  }
0xad: {  	[dreg:$0x4] =	wrdreg $0xC0  }
0xae: {  	_ =	task [dreg:s5], $0x5FFFF  }
0xaf: {  	[dreg:$0x1] =	wrdreg $0xFFFFFFFF  }
0xb0: {  	[dreg:$0x0] =	wrdreg $0x60  }
0xb1: {  	[dreg:$0x2] =	wrdreg s22  }
0xb2: {  	[dreg:$0x3] =	wrdreg s14  }
0xb3: {  	[dreg:$0x4] =	wrdreg $0x9  }
0xb4: {  	_ =	task.clear_ibuf [dreg:s5], $0x5FFFF;
	_ =	strace $0x90000046  }
0xb5: {  	s26 =	simm.s32 $0x9;
	_ =	strace $0x80000048  }
0xb6: {  	_ =	swait.ge [sflag:s26], $0x1  }
0xb7: {  	[sflag:s26] =	ssyncadd.s32 $0xFFFFFFFF  }
0xb8: {  	_ =	strace $0x90000048  }
0xb9: {  	_ =	sfence  }
0xba: {  	s28 =	sld [smem:$0x0];
	_ =	sdelay $0x1  }
0xbb: {  	s29 =	srdreg.scid  }
0xbc: {  	s30 =	sshll.u32 s29, $0xD;
	s31 =	sshrl.u32 s29, $0x2  }
0xbd: {  	s2 =	sand.u32 $0x4000, s30;
	s1 =	sand.u32 $0x1, s29;
	s0 =	sadd.s32 s31, s28  }
0xbe: {  	s1 =	sor.u32 s2, s1;
	s0 =	sshll.u32 s0, $0x11  }
0xbf: {  	s0 =	sor.u32 s0, s1  }
0xc0: {  	s0 =	sadd.s32 $0x8F2B, s0  }
0xc1: {  	[sflag:s0] =	ssyncadd.remote.s32 $0x1  }
0xc2: {  	_ =	sfence.sel $0xFFFF  }
0xc3: {  	[dreg:$0x0] =	wrdreg $0xFFFFFFFF;
	(pc) =	sbr.abs _section_cstart, $3  }
0xc4: {  	[dreg:$0x1] =	wrdreg $0xFFFFFFFF  }
0xc5: {  	_ =	task.clear_ibuf [dreg:s5], $0x2FFFF;
	_ =	strace $0x9FFFFFFF  }
0xc6: {  	(tm) =	ssettm $0x7FFFFFFF  }
0xc7: {  	_ =	shalt  }
tec
execute0_lowered:
.L_overlay_start_1:
0x0: {  	(tag) =	ssettag $0x1  }
0x1: {  	s0 =	rddreg [dreg:$0x0]  }
0x2: {  	s1 =	rddreg [dreg:$0x1]  }
0x3: {  	s2 =	rddreg [dreg:$0x2];
	s3 =	simm.s32 $0x0;
	s4 =	stileid.u32  }
0x4: {  	[smem:$0x7FF] =	sst s3;
	s5 =	sshll.u32 s4, $0x1  }
0x5: {  	s28 =	simm.s32 $0x2;
	_ =	strace $0x80000047;
	s1 =	sadd.s32 s1, s5  }
0x6: {  	[tilespmem:s3], [sflag:$0x2] =	stream.linear.gather [hbm4b:s1+s3], $0x10, $0x38;
	[tilespmem:$0x880] =	vst v63  }
0x7: {  	_ =	swait.ge [sflag:s28], $0x10  }
0x8: {  	s6 =	simm.s32 $0x10;
	s7 =	simm.s32 $0x80;
	[sflag:s28] =	ssyncset.done $0x0  }
0x9: {  	s30 =	simm.s32 $0x1;
	s29 =	sadd.s32 $0x1200, s0;
	[sflag:s28] =	ssyncadd.s32 $0xFFFFFFF0  }
0xa: {  	[tilespmem:s7], [sflag:$0x1] =	stream.indirect.gather [hbm4b:s29+s6], $0x80, s3, s6, $0xb8;
	[tilespmem:$0x880] =	vst v63  }
0xb: {  	s31 =	sshll.u32 s4, $0x8;
	_ =	swait.ge [sflag:s30], $0x800  }
0xc: {  	s0 =	sadd.s32 s31, s0;
	[sflag:s30] =	ssyncset.done $0x0  }
0xd: {  	s0 =	sadd.s32 $0x5200, s0;
	[sflag:s30] =	ssyncadd.s32 $0xFFFFF800  }
0xe: {  	[hbm4b:s0+s3] =	stream.linear.scatter [tilespmem:s7], [sflag:$0x2], $0x800, $0x38;
	[tilespmem:$0x880] =	vst v63  }
0xf: {  	_ =	swait.ge [sflag:s28], $0x800  }
0x10: {  	[sflag:s28] =	ssyncset.done $0x0  }
0x11: {  	[sflag:s28] =	ssyncadd.s32 $0xFFFFF800  }
0x12: {  	_ =	sfence.sel $0x180000  }
0x13: {  	[bflag:$0x0] =	sbarrier.arrive $0xFFFF  }
0x14: {  	p0 =	sne.s32 s4, $0x0;
	_ =	strace $0x90000047  }
0x15: {  	s0 =	sadd.s32 @!p0 $0x100000, s2;
	[bflag:$0x2] =	sbarrier.arrive $0xFFFF  }
0x16: {  	[sflag:s0] =	ssyncadd.tile.s32 @!p0 $0x1;
	_ =	shalt  }
.Lfunc_end2:
_tile_overlayer_lowered:
.L_overlay_start_2:
0x17: {  	(tag) =	ssettag $0x2  }
0x18: {  	s0 =	rddreg [dreg:$0x0];
	s2 =	stileid.u32  }
0x19: {  	s1 =	rddreg [dreg:$0x1];
	p0 =	sne.s32 s2, $0x0  }
0x1a: {  	s3 =	rddreg [dreg:$0x2];
	[bflag:$0x3] =	sbarrier.arrive $0xFFFF;
	s2 =	simm.s32 @!p0 $0x1C02  }
0x1b: {  	[timem:s3], [sflag:s2] =	dma.local @!p0 [hbm:s0], s1  }
0x1c: {  	s0 =	simm.s32 @!p0 $0x2  }
0x1d: {  	_ =	swait.ge @!p0 [sflag:s0], s1  }
0x1e: {  	s1 =	ssub.s32 @!p0 $0x0, s1;
	[sflag:s0] =	ssyncset.done @!p0 $0x0  }
0x1f: {  	[sflag:s0] =	ssyncadd.s32 @!p0 s1  }
0x20: {  	[bflag:$0x3] =	sbarrier.arrive $0xFFFF  }
0x21: {  	_ =	shalt  }

</sc_bundles>
